<compile_context>
chip_gen: v7x
topology: tpu7x:2x2x1
jax: 0.10.2.dev20260603
libtpu: 0.0.44.dev20260713+nightly
codegen_flags: <defaults>
</compile_context>

<pallas_src>
import functools

import jax
import jax.numpy as jnp
from jax import lax
from jax.experimental import pallas as pl
from jax.experimental.pallas import tpu as pltpu
from jax.experimental.pallas import tpu_sc as plsc

_B = 4
_C = 96
_HW = 224 * 224
_NC = 2
_NS = 16
_NW = _NC * _NS
_WPB = _NW // _B
_PPW = _HW // _WPB
_CHUNK = 128
_NCHUNK = _PPW // _CHUNK
_GROUPS = _CHUNK // 16

_LN2 = 0.6931471805599453


def _vlog(x):
    bits = lax.bitcast_convert_type(x, jnp.int32)
    e = lax.shift_right_arithmetic(bits, 23) - 127
    m_bits = lax.bitwise_or(lax.bitwise_and(bits, 0x007FFFFF), 0x3F800000)
    m = lax.bitcast_convert_type(m_bits, jnp.float32)
    r = (m - 1.0) / (m + 1.0)
    r2 = r * r
    poly = 1.0 + r2 * (1.0 / 3.0 + r2 * (0.2 + r2 * (1.0 / 7.0 + r2 * (1.0 / 9.0))))
    return e.astype(jnp.float32) * _LN2 + 2.0 * r * poly


def _sc_body(in_hbm, t_hbm, lab_hbm, sums_hbm, cnts_hbm,
             in_buf, t_buf, lab_buf, s_stage, c_stage):
    wid = lax.axis_index("s") * _NC + lax.axis_index("c")
    b = wid // _WPB
    q0 = (wid % _WPB) * _PPW

    zero = jnp.zeros((16,), jnp.float32)

    def chunk_body(k, carry):
        loss_acc, cnt_acc = carry
        q = q0 + k * _CHUNK
        pltpu.sync_copy(in_hbm.at[b, :, pl.ds(q, _CHUNK)], in_buf)
        pltpu.sync_copy(t_hbm.at[b, :, pl.ds(q, _CHUNK)], t_buf)
        pltpu.sync_copy(lab_hbm.at[b, pl.ds(q, _CHUNK)], lab_buf)

        def group_body(g, carry2):
            loss2, cnt2 = carry2
            off = g * 16

            def chan_body(c, carry3):
                si, st, acc = carry3
                iv = in_buf[c, pl.ds(off, 16)]
                tv = t_buf[c, pl.ds(off, 16)]
                te = jnp.exp(tv)
                return (si + jnp.exp(iv), st + te, acc + te * (tv - iv))

            si, st, acc = lax.fori_loop(0, _C, chan_body, (zero, zero, zero))
            kl = acc / st + _vlog(si) - _vlog(st)
            lab = lab_buf[pl.ds(off, 16)]
            mf = jnp.where(lab != 0, 1.0, 0.0).astype(jnp.float32)
            return (loss2 + kl * mf, cnt2 + mf)

        return lax.fori_loop(0, _GROUPS, group_body, (loss_acc, cnt_acc))

    loss_acc, cnt_acc = lax.fori_loop(0, _NCHUNK, chunk_body, (zero, zero))
    s_stage[...] = loss_acc
    c_stage[...] = cnt_acc
    pltpu.sync_copy(s_stage, sums_hbm.at[wid])
    pltpu.sync_copy(c_stage, cnts_hbm.at[wid])


def _finish_body(s_ref, c_ref, o_ref):
    o_ref[...] = (jnp.sum(s_ref[...]) / jnp.sum(c_ref[...]))[None, None]


def kernel(input, target, label):
    in3 = input.reshape(_B, _C, _HW)
    t3 = target.reshape(_B, _C, _HW)
    lab2 = label.reshape(_B, _HW).astype(jnp.int32)

    mesh = plsc.VectorSubcoreMesh(core_axis_name="c", subcore_axis_name="s")
    sc = functools.partial(
        pl.kernel,
        mesh=mesh,
        out_type=[
            jax.ShapeDtypeStruct((_NW, 16), jnp.float32),
            jax.ShapeDtypeStruct((_NW, 16), jnp.float32),
        ],
        scratch_types=[
            pltpu.VMEM((_C, _CHUNK), jnp.float32),
            pltpu.VMEM((_C, _CHUNK), jnp.float32),
            pltpu.VMEM((_CHUNK,), jnp.int32),
            pltpu.VMEM((16,), jnp.float32),
            pltpu.VMEM((16,), jnp.float32),
        ],
    )(_sc_body)
    sums, cnts = sc(in3, t3, lab2)

    loss2d = pl.pallas_call(
        _finish_body,
        out_shape=jax.ShapeDtypeStruct((1, 1), jnp.float32),
    )(sums, cnts)
    return loss2d[0, 0]

# --- scband reference (transcript-rebuilt; emitter-appended) ---
"""Pipeline reference for scband-kldivergence-loss-56908316672209 (READ-ONLY COPY).

The authoritative reference and input builder live on the scoring server;
editing this copy changes nothing except your own understanding.
"""

import jax, jax.numpy as jnp
import numpy as np

T = 1

def setup_inputs(seed: int = 0) -> dict:
    key = jax.random.key(seed)
    k1, k2, k3 = jax.random.split(key, 3)
    input = jax.random.normal(k1, (4, 96, 224, 224), dtype=jnp.float32)
    target = jax.random.normal(k2, (4, 96, 224, 224), dtype=jnp.float32)
    label = jax.random.randint(k3, (4, 224, 224), 0, 2, dtype=jnp.int64)
    return {"input": input, "target": target, "label": label}

def reference(input, target, label):
    # log_softmax / softmax over channel dim (dim=1)
    log_input_prob = jax.nn.log_softmax(input / T, axis=1)
    target_prob = jax.nn.softmax(target / T, axis=1)
    B, C, H, W = input.shape
    # flatten_probas: permute(0,2,3,1).reshape(-1, C)
    li = jnp.transpose(log_input_prob, (0, 2, 3, 1)).reshape(-1, C)
    tp = jnp.transpose(target_prob, (0, 2, 3, 1)).reshape(-1, C)
    lab = label.reshape(-1)
    # valid-pixel selection via mask (equivalent to torch.nonzero row-gather since labels are 0/1)
    mask = (lab != 0).astype(li.dtype)
    n_valid = jnp.sum(mask)
    # F.kl_div(log_input, target, reduction='batchmean'):
    #   sum(target * (log(target) - log_input)) / n_rows
    kl_elem = tp * (jnp.log(tp) - li)
    loss = jnp.sum(kl_elem * mask[:, None]) / n_valid
    return T * T * loss

if __name__ == "__main__":
    import jax
    _d = setup_inputs()
    print(jax.jit(kernel)(*tuple(_d.values())))

</pallas_src>

<mosaic_0001>
#map = affine_map<(d0, d1) -> (0, 0, 0)>
#map1 = affine_map<(d0, d1) -> (0, 0)>
module attributes {stable_mosaic.version = 14 : i64} {
  func.func @_sc_body(%arg0: i32, %arg1: i32, %arg2: memref<4x96x50176xf32, #tpu.memory_space<hbm>>, %arg3: memref<4x96x50176xf32, #tpu.memory_space<hbm>>, %arg4: memref<4x50176xi32, #tpu.memory_space<hbm>>, %arg5: memref<32x16xf32, #tpu.memory_space<hbm>>, %arg6: memref<32x16xf32, #tpu.memory_space<hbm>>, %arg7: memref<96x128xf32, #tpu.memory_space<vmem>>, %arg8: memref<96x128xf32, #tpu.memory_space<vmem>>, %arg9: memref<128xi32, #tpu.memory_space<vmem>>, %arg10: memref<16xf32, #tpu.memory_space<vmem>>, %arg11: memref<16xf32, #tpu.memory_space<vmem>>) attributes {dimension_semantics = [#tpu.dimension_semantics<core_parallel>, #tpu.dimension_semantics<subcore_parallel>], iteration_bounds = array<i64: 2, 16>, scalar_prefetch = 0 : i64, scratch_operands = 5 : i64, tpu.core_type = #tpu.core_type<sc_vector_subcore>, window_params = [{transform_indices = #map}, {transform_indices = #map}, {transform_indices = #map1}, {transform_indices = #map1}, {transform_indices = #map1}]} {
    %mul3A = arith.constant 2 : i32
    %mul3A_0 = arith.muli %arg1, %mul3A : i32
    %add3A = arith.addi %mul3A_0, %arg0 : i32
    %jit3A = arith.constant 8 : i32
    %div3A = arith.divsi %add3A, %jit3A : i32
    %sign3A = arith.constant 0 : i32
    %sign3A_1 = arith.cmpi sgt, %add3A, %sign3A : i32
    %sign3A_2 = arith.extui %sign3A_1 : i1 to i32
    %sign3A_3 = arith.constant 0 : i32
    %sign3A_4 = arith.cmpi slt, %add3A, %sign3A_3 : i32
    %sign3A_5 = arith.extui %sign3A_4 : i1 to i32
    %sign3A_6 = arith.subi %sign3A_2, %sign3A_5 : i32
    %sign3A_7 = arith.constant 0 : i32
    %sign3A_8 = arith.cmpi sgt, %jit3A, %sign3A_7 : i32
    %sign3A_9 = arith.extui %sign3A_8 : i1 to i32
    %sign3A_10 = arith.constant 0 : i32
    %sign3A_11 = arith.cmpi slt, %jit3A, %sign3A_10 : i32
    %sign3A_12 = arith.extui %sign3A_11 : i1 to i32
    %sign3A_13 = arith.subi %sign3A_9, %sign3A_12 : i32
    %ne3A = arith.cmpi ne, %sign3A_6, %sign3A_13 : i32
    %rem3A = arith.remsi %add3A, %jit3A : i32
    %ne3A_14 = arith.constant 0 : i32
    %ne3A_15 = arith.cmpi ne, %rem3A, %ne3A_14 : i32
    %and3A = arith.andi %ne3A, %ne3A_15 : i1
    %sub3A = arith.constant 1 : i32
    %sub3A_16 = arith.subi %div3A, %sub3A : i32
    %select_n3A = arith.select %and3A, %sub3A_16, %div3A : i32
    %jit3A_17 = arith.constant 8 : i32
    %eq3A = arith.constant 0 : i32
    %eq3A_18 = arith.cmpi eq, %jit3A_17, %eq3A : i32
    %jit3A_19 = arith.constant 1 : i32
    %select_n3A_20 = arith.select %eq3A_18, %jit3A_19, %jit3A_17 : i32
    %rem3A_21 = arith.remsi %add3A, %select_n3A_20 : i32
    %ne3A_22 = arith.constant 0 : i32
    %ne3A_23 = arith.cmpi ne, %rem3A_21, %ne3A_22 : i32
    %lt3A = arith.constant 0 : i32
    %lt3A_24 = arith.cmpi slt, %rem3A_21, %lt3A : i32
    %lt3A_25 = arith.constant 0 : i32
    %lt3A_26 = arith.cmpi slt, %select_n3A_20, %lt3A_25 : i32
    %ne3A_27 = arith.xori %lt3A_24, %lt3A_26 : i1
    %and3A_28 = arith.andi %ne3A_27, %ne3A_23 : i1
    %add3A_29 = arith.addi %rem3A_21, %select_n3A_20 : i32
    %select_n3A_30 = arith.select %and3A_28, %add3A_29, %rem3A_21 : i32
    %mul3A_31 = arith.constant 6272 : i32
    %mul3A_32 = arith.muli %select_n3A_30, %mul3A_31 : i32
    %broadcast_in_dim3A = arith.constant 0.000000e+00 : f32
    %broadcast_in_dim3A_33 = vector.broadcast %broadcast_in_dim3A : f32 to vector<16xf32>
    %scan3A = arith.constant 0 : i32
    %scan3A_34 = arith.constant 49 : i32
    %scan3A_35 = arith.addi %scan3A, %scan3A_34 : i32
    %scan3A_36 = arith.constant 1 : i32
    %scan3A_37:2 = scf.for %scan3A_46 = %scan3A to %scan3A_35 step %scan3A_36 iter_args(%scan3A_47 = %broadcast_in_dim3A_33, %scan3A_48 = %broadcast_in_dim3A_33) -> (vector<16xf32>, vector<16xf32>)  : i32 {
      %mul3A_49 = arith.constant 128 : i32
      %mul3A_50 = arith.muli %scan3A_46, %mul3A_49 : i32
      %add3A_51 = arith.addi %mul3A_32, %mul3A_50 : i32
      "tpu.region"() ({
        %run_scoped3A = tpu.sem_alloc : memref<!tpu.dma_semaphore, #tpu.memory_space<semaphore_mem>>
        %dma_start3A = arith.constant 0 : i32
        %dma_start3A_58 = tpu.memref_slice %arg2[%select_n3A, %dma_start3A, %add3A_51] : memref<4x96x50176xf32, #tpu.memory_space<hbm>> -> memref<1x96x128xf32, #tpu.memory_space<hbm>>
        %dma_start3A_59 = tpu.memref_squeeze %dma_start3A_58 : memref<1x96x128xf32, #tpu.memory_space<hbm>> -> memref<96x128xf32, #tpu.memory_space<hbm>>
        %dma_start3A_60 = arith.constant 0 : i32
        %dma_start3A_61 = tpu.memref_slice %arg2[%select_n3A, %dma_start3A_60, %add3A_51] : memref<4x96x50176xf32, #tpu.memory_space<hbm>> -> memref<1x96x128xf32, #tpu.memory_space<hbm>>
        %dma_start3A_62 = tpu.memref_squeeze %dma_start3A_61 : memref<1x96x128xf32, #tpu.memory_space<hbm>> -> memref<96x128xf32, #tpu.memory_space<hbm>>
        tpu.enqueue_dma source(%dma_start3A_62 : memref<96x128xf32, #tpu.memory_space<hbm>>) target(%arg7 : memref<96x128xf32, #tpu.memory_space<vmem>>) target_semaphore(%run_scoped3A : memref<!tpu.dma_semaphore, #tpu.memory_space<semaphore_mem>>)
        %dma_wait3A = arith.constant 0 : i32
        %dma_wait3A_63 = tpu.memref_slice %arg2[%select_n3A, %dma_wait3A, %add3A_51] : memref<4x96x50176xf32, #tpu.memory_space<hbm>> -> memref<1x96x128xf32, #tpu.memory_space<hbm>>
        %dma_wait3A_64 = tpu.memref_squeeze %dma_wait3A_63 : memref<1x96x128xf32, #tpu.memory_space<hbm>> -> memref<96x128xf32, #tpu.memory_space<hbm>>
        %dma_wait3A_65 = arith.constant 0 : i32
        %dma_wait3A_66 = tpu.memref_slice %arg2[%select_n3A, %dma_wait3A_65, %add3A_51] : memref<4x96x50176xf32, #tpu.memory_space<hbm>> -> memref<1x96x128xf32, #tpu.memory_space<hbm>>
        %dma_wait3A_67 = tpu.memref_squeeze %dma_wait3A_66 : memref<1x96x128xf32, #tpu.memory_space<hbm>> -> memref<96x128xf32, #tpu.memory_space<hbm>>
        tpu.wait_dma2 semaphore(%run_scoped3A : memref<!tpu.dma_semaphore, #tpu.memory_space<semaphore_mem>>) src(%dma_wait3A_67 : memref<96x128xf32, #tpu.memory_space<hbm>>) dst(%arg7 : memref<96x128xf32, #tpu.memory_space<vmem>>)
        tpu.yield
      }) : () -> ()
      "tpu.region"() ({
        %run_scoped3A = tpu.sem_alloc : memref<!tpu.dma_semaphore, #tpu.memory_space<semaphore_mem>>
        %dma_start3A = arith.constant 0 : i32
        %dma_start3A_58 = tpu.memref_slice %arg3[%select_n3A, %dma_start3A, %add3A_51] : memref<4x96x50176xf32, #tpu.memory_space<hbm>> -> memref<1x96x128xf32, #tpu.memory_space<hbm>>
        %dma_start3A_59 = tpu.memref_squeeze %dma_start3A_58 : memref<1x96x128xf32, #tpu.memory_space<hbm>> -> memref<96x128xf32, #tpu.memory_space<hbm>>
        %dma_start3A_60 = arith.constant 0 : i32
        %dma_start3A_61 = tpu.memref_slice %arg3[%select_n3A, %dma_start3A_60, %add3A_51] : memref<4x96x50176xf32, #tpu.memory_space<hbm>> -> memref<1x96x128xf32, #tpu.memory_space<hbm>>
        %dma_start3A_62 = tpu.memref_squeeze %dma_start3A_61 : memref<1x96x128xf32, #tpu.memory_space<hbm>> -> memref<96x128xf32, #tpu.memory_space<hbm>>
        tpu.enqueue_dma source(%dma_start3A_62 : memref<96x128xf32, #tpu.memory_space<hbm>>) target(%arg8 : memref<96x128xf32, #tpu.memory_space<vmem>>) target_semaphore(%run_scoped3A : memref<!tpu.dma_semaphore, #tpu.memory_space<semaphore_mem>>)
        %dma_wait3A = arith.constant 0 : i32
        %dma_wait3A_63 = tpu.memref_slice %arg3[%select_n3A, %dma_wait3A, %add3A_51] : memref<4x96x50176xf32, #tpu.memory_space<hbm>> -> memref<1x96x128xf32, #tpu.memory_space<hbm>>
        %dma_wait3A_64 = tpu.memref_squeeze %dma_wait3A_63 : memref<1x96x128xf32, #tpu.memory_space<hbm>> -> memref<96x128xf32, #tpu.memory_space<hbm>>
        %dma_wait3A_65 = arith.constant 0 : i32
        %dma_wait3A_66 = tpu.memref_slice %arg3[%select_n3A, %dma_wait3A_65, %add3A_51] : memref<4x96x50176xf32, #tpu.memory_space<hbm>> -> memref<1x96x128xf32, #tpu.memory_space<hbm>>
        %dma_wait3A_67 = tpu.memref_squeeze %dma_wait3A_66 : memref<1x96x128xf32, #tpu.memory_space<hbm>> -> memref<96x128xf32, #tpu.memory_space<hbm>>
        tpu.wait_dma2 semaphore(%run_scoped3A : memref<!tpu.dma_semaphore, #tpu.memory_space<semaphore_mem>>) src(%dma_wait3A_67 : memref<96x128xf32, #tpu.memory_space<hbm>>) dst(%arg8 : memref<96x128xf32, #tpu.memory_space<vmem>>)
        tpu.yield
      }) : () -> ()
      "tpu.region"() ({
        %run_scoped3A = tpu.sem_alloc : memref<!tpu.dma_semaphore, #tpu.memory_space<semaphore_mem>>
        %dma_start3A = tpu.memref_slice %arg4[%select_n3A, %add3A_51] : memref<4x50176xi32, #tpu.memory_space<hbm>> -> memref<1x128xi32, #tpu.memory_space<hbm>>
        %dma_start3A_58 = tpu.memref_squeeze %dma_start3A : memref<1x128xi32, #tpu.memory_space<hbm>> -> memref<128xi32, #tpu.memory_space<hbm>>
        %dma_start3A_59 = tpu.memref_slice %arg4[%select_n3A, %add3A_51] : memref<4x50176xi32, #tpu.memory_space<hbm>> -> memref<1x128xi32, #tpu.memory_space<hbm>>
        %dma_start3A_60 = tpu.memref_squeeze %dma_start3A_59 : memref<1x128xi32, #tpu.memory_space<hbm>> -> memref<128xi32, #tpu.memory_space<hbm>>
        tpu.enqueue_dma source(%dma_start3A_60 : memref<128xi32, #tpu.memory_space<hbm>>) target(%arg9 : memref<128xi32, #tpu.memory_space<vmem>>) target_semaphore(%run_scoped3A : memref<!tpu.dma_semaphore, #tpu.memory_space<semaphore_mem>>)
        %dma_wait3A = tpu.memref_slice %arg4[%select_n3A, %add3A_51] : memref<4x50176xi32, #tpu.memory_space<hbm>> -> memref<1x128xi32, #tpu.memory_space<hbm>>
        %dma_wait3A_61 = tpu.memref_squeeze %dma_wait3A : memref<1x128xi32, #tpu.memory_space<hbm>> -> memref<128xi32, #tpu.memory_space<hbm>>
        %dma_wait3A_62 = tpu.memref_slice %arg4[%select_n3A, %add3A_51] : memref<4x50176xi32, #tpu.memory_space<hbm>> -> memref<1x128xi32, #tpu.memory_space<hbm>>
        %dma_wait3A_63 = tpu.memref_squeeze %dma_wait3A_62 : memref<1x128xi32, #tpu.memory_space<hbm>> -> memref<128xi32, #tpu.memory_space<hbm>>
        tpu.wait_dma2 semaphore(%run_scoped3A : memref<!tpu.dma_semaphore, #tpu.memory_space<semaphore_mem>>) src(%dma_wait3A_63 : memref<128xi32, #tpu.memory_space<hbm>>) dst(%arg9 : memref<128xi32, #tpu.memory_space<vmem>>)
        tpu.yield
      }) : () -> ()
      %scan3A_52 = arith.constant 0 : i32
      %scan3A_53 = arith.constant 8 : i32
      %scan3A_54 = arith.addi %scan3A_52, %scan3A_53 : i32
      %scan3A_55 = arith.constant 1 : i32
      %scan3A_56:2 = scf.for %scan3A_58 = %scan3A_52 to %scan3A_54 step %scan3A_55 iter_args(%scan3A_59 = %scan3A_47, %scan3A_60 = %scan3A_48) -> (vector<16xf32>, vector<16xf32>)  : i32 {
        %mul3A_61 = arith.constant 16 : i32
        %mul3A_62 = arith.muli %scan3A_58, %mul3A_61 : i32
        %scan3A_63 = arith.constant 0 : i32
        %scan3A_64 = arith.constant 96 : i32
        %scan3A_65 = arith.addi %scan3A_63, %scan3A_64 : i32
        %scan3A_66 = arith.constant 1 : i32
        %scan3A_67:3 = scf.for %scan3A_179 = %scan3A_63 to %scan3A_65 step %scan3A_66 iter_args(%scan3A_180 = %broadcast_in_dim3A_33, %scan3A_181 = %broadcast_in_dim3A_33, %scan3A_182 = %broadcast_in_dim3A_33) -> (vector<16xf32>, vector<16xf32>, vector<16xf32>)  : i32 {
          %get3A_183 = arith.index_cast %scan3A_179 : i32 to index
          %get3A_184 = arith.index_cast %mul3A_62 : i32 to index
          %get3A_185 = tpu.vector_load %arg7[%get3A_183, %get3A_184] {strides = array<i32>} : memref<96x128xf32, #tpu.memory_space<vmem>>, vector<1x16xf32>,
          %get3A_186 = vector.shape_cast %get3A_185 : vector<1x16xf32> to vector<16xf32>
          %get3A_187 = arith.index_cast %scan3A_179 : i32 to index
          %get3A_188 = arith.index_cast %mul3A_62 : i32 to index
          %get3A_189 = tpu.vector_load %arg8[%get3A_187, %get3A_188] {strides = array<i32>} : memref<96x128xf32, #tpu.memory_space<vmem>>, vector<1x16xf32>,
          %get3A_190 = vector.shape_cast %get3A_189 : vector<1x16xf32> to vector<16xf32>
          %exp3A = math.exp %get3A_190 : vector<16xf32>
          %exp3A_191 = math.exp %get3A_186 : vector<16xf32>
          %add3A_192 = arith.addf %scan3A_180, %exp3A_191 : vector<16xf32>
          %add3A_193 = arith.addf %scan3A_181, %exp3A : vector<16xf32>
          %sub3A_194 = arith.subf %get3A_190, %get3A_186 : vector<16xf32>
          %mul3A_195 = arith.mulf %exp3A, %sub3A_194 : vector<16xf32>
          %add3A_196 = arith.addf %scan3A_182, %mul3A_195 : vector<16xf32>
          scf.yield %add3A_192, %add3A_193, %add3A_196 : vector<16xf32>, vector<16xf32>, vector<16xf32>
        }
        %scan3A_68 = arith.constant 96 : i32
        %div3A_69 = arith.divf %scan3A_67#2, %scan3A_67#1 : vector<16xf32>
        %bitcast_convert_type3A = tpu.bitcast %scan3A_67#0 : vector<16xf32> -> vector<16xi32>
        %shift_right_arithmetic3A = arith.constant 23 : i32
        %shift_right_arithmetic3A_70 = vector.broadcast %shift_right_arithmetic3A : i32 to vector<16xi32>
        %shift_right_arithmetic3A_71 = arith.shrsi %bitcast_convert_type3A, %shift_right_arithmetic3A_70 : vector<16xi32>
        %sub3A_72 = arith.constant 127 : i32
        %sub3A_73 = vector.broadcast %sub3A_72 : i32 to vector<16xi32>
        %sub3A_74 = arith.subi %shift_right_arithmetic3A_71, %sub3A_73 : vector<16xi32>
        %and3A_75 = arith.constant 8388607 : i32
        %and3A_76 = vector.broadcast %and3A_75 : i32 to vector<16xi32>
        %and3A_77 = arith.andi %bitcast_convert_type3A, %and3A_76 : vector<16xi32>
        %or3A = arith.constant 1065353216 : i32
        %or3A_78 = vector.broadcast %or3A : i32 to vector<16xi32>
        %or3A_79 = arith.ori %and3A_77, %or3A_78 : vector<16xi32>
        %bitcast_convert_type3A_80 = tpu.bitcast %or3A_79 : vector<16xi32> -> vector<16xf32>
        %sub3A_81 = arith.constant 1.000000e+00 : f32
        %sub3A_82 = vector.broadcast %sub3A_81 : f32 to vector<16xf32>
        %sub3A_83 = arith.subf %bitcast_convert_type3A_80, %sub3A_82 : vector<16xf32>
        %add3A_84 = arith.constant 1.000000e+00 : f32
        %add3A_85 = vector.broadcast %add3A_84 : f32 to vector<16xf32>
        %add3A_86 = arith.addf %bitcast_convert_type3A_80, %add3A_85 : vector<16xf32>
        %div3A_87 = arith.divf %sub3A_83, %add3A_86 : vector<16xf32>
        %mul3A_88 = arith.mulf %div3A_87, %div3A_87 : vector<16xf32>
        %mul3A_89 = arith.constant 0.111111112 : f32
        %mul3A_90 = vector.broadcast %mul3A_89 : f32 to vector<16xf32>
        %mul3A_91 = arith.mulf %mul3A_88, %mul3A_90 : vector<16xf32>
        %add3A_92 = arith.constant 0.142857149 : f32
        %add3A_93 = vector.broadcast %add3A_92 : f32 to vector<16xf32>
        %add3A_94 = arith.addf %add3A_93, %mul3A_91 : vector<16xf32>
        %mul3A_95 = arith.mulf %mul3A_88, %add3A_94 : vector<16xf32>
        %add3A_96 = arith.constant 2.000000e-01 : f32
        %add3A_97 = vector.broadcast %add3A_96 : f32 to vector<16xf32>
        %add3A_98 = arith.addf %add3A_97, %mul3A_95 : vector<16xf32>
        %mul3A_99 = arith.mulf %mul3A_88, %add3A_98 : vector<16xf32>
        %add3A_100 = arith.constant 0.333333343 : f32
        %add3A_101 = vector.broadcast %add3A_100 : f32 to vector<16xf32>
        %add3A_102 = arith.addf %add3A_101, %mul3A_99 : vector<16xf32>
        %mul3A_103 = arith.mulf %mul3A_88, %add3A_102 : vector<16xf32>
        %add3A_104 = arith.constant 1.000000e+00 : f32
        %add3A_105 = vector.broadcast %add3A_104 : f32 to vector<16xf32>
        %add3A_106 = arith.addf %add3A_105, %mul3A_103 : vector<16xf32>
        %convert_element_type3A = arith.sitofp %sub3A_74 : vector<16xi32> to vector<16xf32>
        %mul3A_107 = arith.constant 0.693147182 : f32
        %mul3A_108 = vector.broadcast %mul3A_107 : f32 to vector<16xf32>
        %mul3A_109 = arith.mulf %convert_element_type3A, %mul3A_108 : vector<16xf32>
        %mul3A_110 = arith.constant 2.000000e+00 : f32
        %mul3A_111 = vector.broadcast %mul3A_110 : f32 to vector<16xf32>
        %mul3A_112 = arith.mulf %mul3A_111, %div3A_87 : vector<16xf32>
        %mul3A_113 = arith.mulf %mul3A_112, %add3A_106 : vector<16xf32>
        %add3A_114 = arith.addf %mul3A_109, %mul3A_113 : vector<16xf32>
        %add3A_115 = arith.addf %div3A_69, %add3A_114 : vector<16xf32>
        %bitcast_convert_type3A_116 = tpu.bitcast %scan3A_67#1 : vector<16xf32> -> vector<16xi32>
        %shift_right_arithmetic3A_117 = arith.constant 23 : i32
        %shift_right_arithmetic3A_118 = vector.broadcast %shift_right_arithmetic3A_117 : i32 to vector<16xi32>
        %shift_right_arithmetic3A_119 = arith.shrsi %bitcast_convert_type3A_116, %shift_right_arithmetic3A_118 : vector<16xi32>
        %sub3A_120 = arith.constant 127 : i32
        %sub3A_121 = vector.broadcast %sub3A_120 : i32 to vector<16xi32>
        %sub3A_122 = arith.subi %shift_right_arithmetic3A_119, %sub3A_121 : vector<16xi32>
        %and3A_123 = arith.constant 8388607 : i32
        %and3A_124 = vector.broadcast %and3A_123 : i32 to vector<16xi32>
        %and3A_125 = arith.andi %bitcast_convert_type3A_116, %and3A_124 : vector<16xi32>
        %or3A_126 = arith.constant 1065353216 : i32
        %or3A_127 = vector.broadcast %or3A_126 : i32 to vector<16xi32>
        %or3A_128 = arith.ori %and3A_125, %or3A_127 : vector<16xi32>
        %bitcast_convert_type3A_129 = tpu.bitcast %or3A_128 : vector<16xi32> -> vector<16xf32>
        %sub3A_130 = arith.constant 1.000000e+00 : f32
        %sub3A_131 = vector.broadcast %sub3A_130 : f32 to vector<16xf32>
        %sub3A_132 = arith.subf %bitcast_convert_type3A_129, %sub3A_131 : vector<16xf32>
        %add3A_133 = arith.constant 1.000000e+00 : f32
        %add3A_134 = vector.broadcast %add3A_133 : f32 to vector<16xf32>
        %add3A_135 = arith.addf %bitcast_convert_type3A_129, %add3A_134 : vector<16xf32>
        %div3A_136 = arith.divf %sub3A_132, %add3A_135 : vector<16xf32>
        %mul3A_137 = arith.mulf %div3A_136, %div3A_136 : vector<16xf32>
        %mul3A_138 = arith.constant 0.111111112 : f32
        %mul3A_139 = vector.broadcast %mul3A_138 : f32 to vector<16xf32>
        %mul3A_140 = arith.mulf %mul3A_137, %mul3A_139 : vector<16xf32>
        %add3A_141 = arith.constant 0.142857149 : f32
        %add3A_142 = vector.broadcast %add3A_141 : f32 to vector<16xf32>
        %add3A_143 = arith.addf %add3A_142, %mul3A_140 : vector<16xf32>
        %mul3A_144 = arith.mulf %mul3A_137, %add3A_143 : vector<16xf32>
        %add3A_145 = arith.constant 2.000000e-01 : f32
        %add3A_146 = vector.broadcast %add3A_145 : f32 to vector<16xf32>
        %add3A_147 = arith.addf %add3A_146, %mul3A_144 : vector<16xf32>
        %mul3A_148 = arith.mulf %mul3A_137, %add3A_147 : vector<16xf32>
        %add3A_149 = arith.constant 0.333333343 : f32
        %add3A_150 = vector.broadcast %add3A_149 : f32 to vector<16xf32>
        %add3A_151 = arith.addf %add3A_150, %mul3A_148 : vector<16xf32>
        %mul3A_152 = arith.mulf %mul3A_137, %add3A_151 : vector<16xf32>
        %add3A_153 = arith.constant 1.000000e+00 : f32
        %add3A_154 = vector.broadcast %add3A_153 : f32 to vector<16xf32>
        %add3A_155 = arith.addf %add3A_154, %mul3A_152 : vector<16xf32>
        %convert_element_type3A_156 = arith.sitofp %sub3A_122 : vector<16xi32> to vector<16xf32>
        %mul3A_157 = arith.constant 0.693147182 : f32
        %mul3A_158 = vector.broadcast %mul3A_157 : f32 to vector<16xf32>
        %mul3A_159 = arith.mulf %convert_element_type3A_156, %mul3A_158 : vector<16xf32>
        %mul3A_160 = arith.constant 2.000000e+00 : f32
        %mul3A_161 = vector.broadcast %mul3A_160 : f32 to vector<16xf32>
        %mul3A_162 = arith.mulf %mul3A_161, %div3A_136 : vector<16xf32>
        %mul3A_163 = arith.mulf %mul3A_162, %add3A_155 : vector<16xf32>
        %add3A_164 = arith.addf %mul3A_159, %mul3A_163 : vector<16xf32>
        %sub3A_165 = arith.subf %add3A_115, %add3A_164 : vector<16xf32>
        %get3A = arith.index_cast %mul3A_62 : i32 to index
        %get3A_166 = tpu.vector_load %arg9[%get3A] {strides = array<i32>} : memref<128xi32, #tpu.memory_space<vmem>>, vector<16xi32>,
        %get3A_167 = vector.shape_cast %get3A_166 : vector<16xi32> to vector<16xi32>
        %ne3A_168 = arith.constant 0 : i32
        %ne3A_169 = vector.broadcast %ne3A_168 : i32 to vector<16xi32>
        %ne3A_170 = arith.cmpi ne, %get3A_167, %ne3A_169 : vector<16xi32>
        %jit3A_171 = arith.constant 1.000000e+00 : f32
        %jit3A_172 = arith.constant 0.000000e+00 : f32
        %broadcast_in_dim3A_173 = vector.broadcast %jit3A_171 : f32 to vector<16xf32>
        %broadcast_in_dim3A_174 = vector.broadcast %jit3A_172 : f32 to vector<16xf32>
        %select_n3A_175 = arith.select %ne3A_170, %broadcast_in_dim3A_173, %broadcast_in_dim3A_174 : vector<16xi1>, vector<16xf32>
        %mul3A_176 = arith.mulf %sub3A_165, %select_n3A_175 : vector<16xf32>
        %add3A_177 = arith.addf %scan3A_59, %mul3A_176 : vector<16xf32>
        %add3A_178 = arith.addf %scan3A_60, %select_n3A_175 : vector<16xf32>
        scf.yield %add3A_177, %add3A_178 : vector<16xf32>, vector<16xf32>
      }
      %scan3A_57 = arith.constant 8 : i32
      scf.yield %scan3A_56#0, %scan3A_56#1 : vector<16xf32>, vector<16xf32>
    }
    %scan3A_38 = arith.constant 49 : i32
    %swap3A = arith.constant 0 : index
    %swap3A_39 = tpu.vector_load %arg10[%swap3A] {strides = array<i32>} : memref<16xf32, #tpu.memory_space<vmem>>, vector<16xf32>,
    %swap3A_40 = vector.shape_cast %swap3A_39 : vector<16xf32> to vector<16xf32>
    %swap3A_41 = vector.shape_cast %scan3A_37#0 : vector<16xf32> to vector<16xf32>
    tpu.vector_store %arg10[%swap3A], %swap3A_41 {strides = array<i32>} : memref<16xf32, #tpu.memory_space<vmem>>, vector<16xf32>,
    %swap3A_42 = arith.constant 0 : index
    %swap3A_43 = tpu.vector_load %arg11[%swap3A_42] {strides = array<i32>} : memref<16xf32, #tpu.memory_space<vmem>>, vector<16xf32>,
    %swap3A_44 = vector.shape_cast %swap3A_43 : vector<16xf32> to vector<16xf32>
    %swap3A_45 = vector.shape_cast %scan3A_37#1 : vector<16xf32> to vector<16xf32>
    tpu.vector_store %arg11[%swap3A_42], %swap3A_45 {strides = array<i32>} : memref<16xf32, #tpu.memory_space<vmem>>, vector<16xf32>,
    "tpu.region"() ({
      %run_scoped3A = tpu.sem_alloc : memref<!tpu.dma_semaphore, #tpu.memory_space<semaphore_mem>>
      %dma_start3A = arith.constant 0 : i32
      %dma_start3A_46 = tpu.memref_slice %arg5[%add3A, %dma_start3A] : memref<32x16xf32, #tpu.memory_space<hbm>> -> memref<1x16xf32, #tpu.memory_space<hbm>>
      %dma_start3A_47 = tpu.memref_squeeze %dma_start3A_46 : memref<1x16xf32, #tpu.memory_space<hbm>> -> memref<16xf32, #tpu.memory_space<hbm>>
      %dma_start3A_48 = arith.constant 0 : i32
      %dma_start3A_49 = tpu.memref_slice %arg5[%add3A, %dma_start3A_48] : memref<32x16xf32, #tpu.memory_space<hbm>> -> memref<1x16xf32, #tpu.memory_space<hbm>>
      %dma_start3A_50 = tpu.memref_squeeze %dma_start3A_49 : memref<1x16xf32, #tpu.memory_space<hbm>> -> memref<16xf32, #tpu.memory_space<hbm>>
      tpu.enqueue_dma source(%arg10 : memref<16xf32, #tpu.memory_space<vmem>>) target(%dma_start3A_50 : memref<16xf32, #tpu.memory_space<hbm>>) target_semaphore(%run_scoped3A : memref<!tpu.dma_semaphore, #tpu.memory_space<semaphore_mem>>)
      %dma_wait3A = arith.constant 0 : i32
      %dma_wait3A_51 = tpu.memref_slice %arg5[%add3A, %dma_wait3A] : memref<32x16xf32, #tpu.memory_space<hbm>> -> memref<1x16xf32, #tpu.memory_space<hbm>>
      %dma_wait3A_52 = tpu.memref_squeeze %dma_wait3A_51 : memref<1x16xf32, #tpu.memory_space<hbm>> -> memref<16xf32, #tpu.memory_space<hbm>>
      %dma_wait3A_53 = arith.constant 0 : i32
      %dma_wait3A_54 = tpu.memref_slice %arg5[%add3A, %dma_wait3A_53] : memref<32x16xf32, #tpu.memory_space<hbm>> -> memref<1x16xf32, #tpu.memory_space<hbm>>
      %dma_wait3A_55 = tpu.memref_squeeze %dma_wait3A_54 : memref<1x16xf32, #tpu.memory_space<hbm>> -> memref<16xf32, #tpu.memory_space<hbm>>
      tpu.wait_dma2 semaphore(%run_scoped3A : memref<!tpu.dma_semaphore, #tpu.memory_space<semaphore_mem>>) src(%arg10 : memref<16xf32, #tpu.memory_space<vmem>>) dst(%dma_wait3A_55 : memref<16xf32, #tpu.memory_space<hbm>>)
      tpu.yield
    }) : () -> ()
    "tpu.region"() ({
      %run_scoped3A = tpu.sem_alloc : memref<!tpu.dma_semaphore, #tpu.memory_space<semaphore_mem>>
      %dma_start3A = arith.constant 0 : i32
      %dma_start3A_46 = tpu.memref_slice %arg6[%add3A, %dma_start3A] : memref<32x16xf32, #tpu.memory_space<hbm>> -> memref<1x16xf32, #tpu.memory_space<hbm>>
      %dma_start3A_47 = tpu.memref_squeeze %dma_start3A_46 : memref<1x16xf32, #tpu.memory_space<hbm>> -> memref<16xf32, #tpu.memory_space<hbm>>
      %dma_start3A_48 = arith.constant 0 : i32
      %dma_start3A_49 = tpu.memref_slice %arg6[%add3A, %dma_start3A_48] : memref<32x16xf32, #tpu.memory_space<hbm>> -> memref<1x16xf32, #tpu.memory_space<hbm>>
      %dma_start3A_50 = tpu.memref_squeeze %dma_start3A_49 : memref<1x16xf32, #tpu.memory_space<hbm>> -> memref<16xf32, #tpu.memory_space<hbm>>
      tpu.enqueue_dma source(%arg11 : memref<16xf32, #tpu.memory_space<vmem>>) target(%dma_start3A_50 : memref<16xf32, #tpu.memory_space<hbm>>) target_semaphore(%run_scoped3A : memref<!tpu.dma_semaphore, #tpu.memory_space<semaphore_mem>>)
      %dma_wait3A = arith.constant 0 : i32
      %dma_wait3A_51 = tpu.memref_slice %arg6[%add3A, %dma_wait3A] : memref<32x16xf32, #tpu.memory_space<hbm>> -> memref<1x16xf32, #tpu.memory_space<hbm>>
      %dma_wait3A_52 = tpu.memref_squeeze %dma_wait3A_51 : memref<1x16xf32, #tpu.memory_space<hbm>> -> memref<16xf32, #tpu.memory_space<hbm>>
      %dma_wait3A_53 = arith.constant 0 : i32
      %dma_wait3A_54 = tpu.memref_slice %arg6[%add3A, %dma_wait3A_53] : memref<32x16xf32, #tpu.memory_space<hbm>> -> memref<1x16xf32, #tpu.memory_space<hbm>>
      %dma_wait3A_55 = tpu.memref_squeeze %dma_wait3A_54 : memref<1x16xf32, #tpu.memory_space<hbm>> -> memref<16xf32, #tpu.memory_space<hbm>>
      tpu.wait_dma2 semaphore(%run_scoped3A : memref<!tpu.dma_semaphore, #tpu.memory_space<semaphore_mem>>) src(%arg11 : memref<16xf32, #tpu.memory_space<vmem>>) dst(%dma_wait3A_55 : memref<16xf32, #tpu.memory_space<hbm>>)
      tpu.yield
    }) : () -> ()
    return
  }
}

module attributes {stable_mosaic.version = 14 : i64} {
  func.func @_finish_body(%arg0: memref<32x16xf32, #tpu.memory_space<vmem>>, %arg1: memref<32x16xf32, #tpu.memory_space<vmem>>, %arg2: memref<1x1xf32, #tpu.memory_space<vmem>>) attributes {dimension_semantics = [], scalar_prefetch = 0 : i64, scratch_operands = 0 : i64, tpu.core_type = #tpu.core_type<tc>} {
    %get3A = arith.constant 0 : index
    %get3A_0 = arith.constant 0 : index
    %get3A_1 = vector.load %arg0[%get3A, %get3A_0] : memref<32x16xf32, #tpu.memory_space<vmem>>, vector<32x16xf32>
    %reduce_sum3A = vector.shape_cast %get3A_1 : vector<32x16xf32> to vector<1x32x16xf32>
    %reduce_sum3A_2 = arith.constant dense<0.000000e+00> : vector<1xf32>
    %reduce_sum3A_3 = vector.multi_reduction <add>, %reduce_sum3A, %reduce_sum3A_2 [1, 2] : vector<1x32x16xf32> to vector<1xf32>
    %reduce_sum3A_4 = vector.shape_cast %reduce_sum3A_3 : vector<1xf32> to vector<1x1x1xf32>
    %reduce_sum3A_5 = vector.extract %reduce_sum3A_4[0, 0, 0] : f32 from vector<1x1x1xf32>
    %get3A_6 = arith.constant 0 : index
    %get3A_7 = arith.constant 0 : index
    %get3A_8 = vector.load %arg1[%get3A_6, %get3A_7] : memref<32x16xf32, #tpu.memory_space<vmem>>, vector<32x16xf32>
    %reduce_sum3A_9 = vector.shape_cast %get3A_8 : vector<32x16xf32> to vector<1x32x16xf32>
    %reduce_sum3A_10 = arith.constant dense<0.000000e+00> : vector<1xf32>
    %reduce_sum3A_11 = vector.multi_reduction <add>, %reduce_sum3A_9, %reduce_sum3A_10 [1, 2] : vector<1x32x16xf32> to vector<1xf32>
    %reduce_sum3A_12 = vector.shape_cast %reduce_sum3A_11 : vector<1xf32> to vector<1x1x1xf32>
    %reduce_sum3A_13 = vector.extract %reduce_sum3A_12[0, 0, 0] : f32 from vector<1x1x1xf32>
    %div3A = arith.divf %reduce_sum3A_5, %reduce_sum3A_13 : f32
    %broadcast_in_dim3A = vector.broadcast %div3A : f32 to vector<1x1xf32>
    %swap3A = arith.constant 0 : index
    %swap3A_14 = arith.constant 0 : index
    %swap3A_15 = vector.load %arg2[%swap3A, %swap3A_14] : memref<1x1xf32, #tpu.memory_space<vmem>>, vector<1x1xf32>
    tpu.vector_store %arg2[%swap3A, %swap3A_14], %broadcast_in_dim3A {strides = array<i32>} : memref<1x1xf32, #tpu.memory_space<vmem>>, vector<1x1xf32>,
    return
  }
}

</mosaic_0001>

<sc_bundles>
// kernel: kernel.4.cloned.1.call-start
scs
__scs_entry_jumppad:
0x0: {  	(pc) =	sbr.rel $0x88, $3  }
0x1: {  	(tag) =	ssettag $0x0;
	lr =	simm.s32 $0x1  }
0x2: {  	[smem:$0x3F9E] =	sst lr;
	_ =	strace $0xD0000000  }
0x3: {  	_ = 	snop  }
0x4: {  	_ = 	snop  }
0x5: {  	_ = 	snop  }
0x6: {  	_ = 	snop  }
0x7: {  	_ = 	snop  }
__scs_overlays_trampoline_lowered:
0x8: {  	[smem:$0x3FAD] =	sst s0  }
0x9: {  	[smem:$0x3FAE] =	sst s1  }
0xa: {  	[smem:$0x3FAF] =	sst s2  }
0xb: {  	[smem:$0x3FB0] =	sst s3  }
0xc: {  	[smem:$0x3FB1] =	sst s4  }
0xd: {  	[smem:$0x3FB2] =	sst s5  }
0xe: {  	[smem:$0x3FB3] =	sst s6  }
0xf: {  	[smem:$0x3FB4] =	sst s7  }
0x10: {  	[smem:$0x3FB5] =	sst s8  }
0x11: {  	[smem:$0x3FB6] =	sst s9;
	s0 =	simm.s32 @!p0 $0x0  }
0x12: {  	s1 =	sld [smem:$0x3F9C];
	s0 =	simm.s32 @p0 $0x1  }
0x13: {  	[smem:$0x3FB7] =	sst s0;
	s0 =	simm.s32 @!p1 $0x0  }
0x14: {  	s2 =	sld [smem:$0x3F9B];
	s0 =	simm.s32 @p1 $0x1  }
0x15: {  	[smem:$0x3FB8] =	sst s0;
	s0 =	simm.s32 @!p2 $0x0  }
0x16: {  	s3 =	sld [smem:$0x3FDB];
	s0 =	simm.s32 @p2 $0x1  }
0x17: {  	s4 =	simm.s32 $0x1BF5;
	[smem:$0x3FBA] =	sst s0  }
0x18: {  	s0 =	sld [smem:$0x3F9D];
	_ =	swait.ge [sflag:s4], $0x0  }
0x19: {  	s7 =	sld [smem:$0x3F9E]  }
0x1a: {  	s8 =	sadd.s32 $0xFFFFE003, lr  }
0x1b: {  	s9 =	sadd.s32 $0xFFFFFEF7, lr;
	s5 =	simm.s32 $0xFFFFFFFF;
	p2 =	slt.u32 s8, $0xFFFFF086  }
0x1c: {  	p1 =	slt.u32 s9, $0xF7A;
	s5 =	simm.s32 @!p2 $0x0  }
0x1d: {  	s5 =	simm.s32 @p1 $0x1;
	p0 =	seq.s32 s7, s2  }
0x1e: {  	s7 =	smul.u32 @!p0 $0xF7A, s2;
	p2 =	seq.s32 @!p0 s5, $0x0  }
0x1f: {  	s9 =	smul.u32 $0xF7A, s1;
	s8 =	simm.s32 @!p0 $0x1BF5;
	p2 =	por !p2, p0  }
0x20: {  	[sflag:s8] =	ssyncset.s32 @!p0 $0xFFFFF086;
	s6 =	sadd.s32 @!p0 s3, s7;
	s7 =	simm.s32 @!p0 $0x108  }
0x21: {  	s3 =	sadd.s32 s3, s9;
	s6 =	sadd.s32 @!p0 $0x88, s6;
	s7 =	simm.s32 @p2 $0x1082  }
0x22: {  	[simem:s7], [sflag:s8] =	dma.local @!p0 [hbm:s6], $0xF7A  }
0x23: {  	s9 =	sor.u32 $0xD0000000, s2;
	s6 =	simm.s32 $0x108;
	_ =	swait.ge @!p0 [sflag:s8], $0x0  }
0x24: {  	s3 =	sadd.s32 $0x88, s3;
	s6 =	simm.s32 @!p1 $0x1082;
	[sflag:s4] =	ssyncset.s32 $0xFFFFF086  }
0x25: {  	[simem:s6], [sflag:s4] =	dma.local [hbm:s3], $0xF7A  }
0x26: {  	[smem:$0x3F9E] =	sst s1;
	(tag) =	ssettag s2;
	_ =	strace s9  }
0x27: {  	s1 =	sld [smem:$0x3FAE]  }
0x28: {  	s2 =	sld [smem:$0x3FAF]  }
0x29: {  	s4 =	sld [smem:$0x3FB1]  }
0x2a: {  	p0 =	seq.s32 s5, $0x0;
	s5 =	sld [smem:$0x3FB2]  }
0x2b: {  	s6 =	sld [smem:$0x3FB3]  }
0x2c: {  	s7 =	sld [smem:$0x3FB4]  }
0x2d: {  	s3 =	simm.s32 $0x108;
	s8 =	sld [smem:$0x3FB5]  }
0x2e: {  	s3 =	simm.s32 @!p0 $0x1082;
	s9 =	sld [smem:$0x3FB6]  }
0x2f: {  	lr =	sadd.s32 s0, s3;
	s0 =	sld [smem:$0x3FAD]  }
0x30: {  	s3 =	sld [smem:$0x3FB0]  }
0x31: {  	[smem:$0x3FB9] =	sst s10  }
0x32: {  	s10 =	sld [smem:$0x3FB7];
	_ =	sdelay $0x3  }
0x33: {  	p0 =	seq.s32 s10, $0x1;
	s10 =	sld [smem:$0x3FB9];
	_ =	sdelay $0x3  }
0x34: {  	[smem:$0x3FB9] =	sst s10  }
0x35: {  	s10 =	sld [smem:$0x3FB8];
	_ =	sdelay $0x3  }
0x36: {  	p1 =	seq.s32 s10, $0x1;
	s10 =	sld [smem:$0x3FB9];
	_ =	sdelay $0x3  }
0x37: {  	[smem:$0x3FB9] =	sst s10  }
0x38: {  	s10 =	sld [smem:$0x3FBA]  }
0x39: {  	_ = 	snop;
	(pc) =	sbr.ind lr, $3  }
0x3a: {  	_ = 	snop  }
0x3b: {  	_ = 	snop  }
0x3c: {  	p2 =	seq.s32 s10, $0x1;
	s10 =	sld [smem:$0x3FB9]  }
0x3d: {  	_ =	shalt  }
0x3e: {  	_ =	shalt  }
0x3f: {  	_ =	shalt  }
0x40: {  	_ =	shalt  }
0x41: {  	_ =	shalt  }
0x42: {  	_ =	shalt  }
0x43: {  	_ =	shalt  }
0x44: {  	_ =	shalt  }
0x45: {  	_ =	shalt  }
0x46: {  	_ =	shalt  }
0x47: {  	_ =	shalt  }
0x48: {  	_ =	shalt  }
0x49: {  	_ =	shalt  }
0x4a: {  	_ =	shalt  }
0x4b: {  	_ =	shalt  }
0x4c: {  	_ =	shalt  }
0x4d: {  	_ =	shalt  }
0x4e: {  	_ =	shalt  }
0x4f: {  	_ =	shalt  }
0x50: {  	_ =	shalt  }
0x51: {  	_ =	shalt  }
0x52: {  	_ =	shalt  }
0x53: {  	_ =	shalt  }
0x54: {  	_ =	shalt  }
0x55: {  	_ =	shalt  }
0x56: {  	_ =	shalt  }
0x57: {  	_ =	shalt  }
0x58: {  	_ =	shalt  }
0x59: {  	_ =	shalt  }
0x5a: {  	_ =	shalt  }
0x5b: {  	_ =	shalt  }
0x5c: {  	_ =	shalt  }
0x5d: {  	_ =	shalt  }
0x5e: {  	_ =	shalt  }
0x5f: {  	_ =	shalt  }
0x60: {  	_ =	shalt  }
0x61: {  	_ =	shalt  }
0x62: {  	_ =	shalt  }
0x63: {  	_ =	shalt  }
0x64: {  	_ =	shalt  }
0x65: {  	_ =	shalt  }
0x66: {  	_ =	shalt  }
0x67: {  	_ =	shalt  }
0x68: {  	_ =	shalt  }
0x69: {  	_ =	shalt  }
0x6a: {  	_ =	shalt  }
0x6b: {  	_ =	shalt  }
0x6c: {  	_ =	shalt  }
0x6d: {  	_ =	shalt  }
0x6e: {  	_ =	shalt  }
0x6f: {  	_ =	shalt  }
0x70: {  	_ =	shalt  }
0x71: {  	_ =	shalt  }
0x72: {  	_ =	shalt  }
0x73: {  	_ =	shalt  }
0x74: {  	_ =	shalt  }
0x75: {  	_ =	shalt  }
0x76: {  	_ =	shalt  }
0x77: {  	_ =	shalt  }
0x78: {  	_ =	shalt  }
0x79: {  	_ =	shalt  }
0x7a: {  	_ =	shalt  }
0x7b: {  	_ =	shalt  }
0x7c: {  	_ =	shalt  }
0x7d: {  	_ =	shalt  }
0x7e: {  	_ =	shalt  }
0x7f: {  	_ =	shalt  }
0x80: {  	_ =	shalt  }
0x81: {  	_ =	shalt  }
0x82: {  	_ =	shalt  }
0x83: {  	_ =	shalt  }
0x84: {  	_ =	shalt  }
0x85: {  	_ =	shalt  }
0x86: {  	_ =	shalt  }
0x87: {  	_ =	shalt  }
.Lfunc_end0:
.L_simem_size_0:
called_computation_lowered:
.L_overlay_start_0:
0x88: {  	s2 =	sld [smem:$0x3FD9]  }
0x89: {  	s3 =	sld [smem:$0x3FFE];
	_ =	sdelay $0x1  }
0x8a: {  	s1 =	srdreg.scid  }
0x8b: {  	s0 =	sand.u32 $0x1, s1  }
0x8c: {  	s16 =	sshll.u32 s0, $0xA;
	s2 =	sadd.s32 s3, s2  }
0x8d: {  	s2 =	sadd.s32 s2, s16  }
0x8e: {  	[smem:$0x3FC5] =	sst s2  }
0x8f: {  	_ = 	snop  }
0x90: {  	(tm) =	ssettm $0x1  }
0x91: {  	s17 =	sld [smem:$0x3FFB];
	_ =	sdelay $0x3  }
0x92: {  	_ =	strace s17  }
0x93: {  	s2 =	sld [smem:$0x3FFC];
	_ =	sdelay $0x3  }
0x94: {  	_ =	strace s2  }
0x95: {  	s2 =	sld [smem:$0x3FFD];
	_ =	sdelay $0x3  }
0x96: {  	_ =	strace s2  }
0x97: {  	_ =	strace $0x8FFFFFFF  }
0x98: {  	s18 =	sld [smem:$0x3FDB];
	_ =	sdelay $0x1  }
0x99: {  	s19 =	simm.s32 $_scs_section_size  }
0x9a: {  	s4 =	simm.s32 $_size__tile_overlayer_lowered;
	s5 =	simm.s32 $_tile_overlayer_lowered  }
0x9b: {  	s22 =	simm.s32 $0x1BFF;
	s21 =	sshll.u32 s5, $0x1;
	s2 =	sadd.s32 s19, s18  }
0x9c: {  	s6 =	simm.s32 $0x0;
	s20 =	sshll.u32 s4, $0x1;
	s4 =	sadd.s32 s21, s2  }
0x9d: {  	[timem:s6], [sflag:s22] =	dma.local [hbm:s4], s20  }
0x9e: {  	_ =	swait.ge [sflag:s22], s20  }
0x9f: {  	s3 =	ssub.s32 $0x0, s20;
	[sflag:s22] =	ssyncset.done $0x0  }
0xa0: {  	[sflag:s22] =	ssyncadd.s32 s3;
	_ =	sdelay $0x1  }
0xa1: {  	s23 =	simm.s32 $0x1B8B  }
0xa2: {  	_ =	swait.ge [sflag:s23], $0x1  }
0xa3: {  	[sflag:s23] =	ssyncset.done $0x0  }
0xa4: {  	s25 =	simm.s32 $0x1B8E;
	s24 =	sld [smem:$0x3FFE];
	[sflag:s23] =	ssyncadd.s32 $0xFFFFFFFF  }
0xa5: {  	s26 =	simm.s32 $execute0_lowered;
	[smem:$0x3FD2] =	sst s25  }
0xa6: {  	s4 =	sshll.u32 s26, $0x1;
	_ =	strace $0x80000046;
	[dreg:$0x1] =	wrdreg $0xFFFFFFFF  }
0xa7: {  	s28 =	simm.s32 $_size_execute0_lowered;
	s2 =	sadd.s32 s2, s4;
	[dreg:$0x0] =	wrdreg $0x0  }
0xa8: {  	s4 =	sshll.u32 s28, $0x1;
	[dreg:$0x2] =	wrdreg s2  }
0xa9: {  	[dreg:$0x3] =	wrdreg s4  }
0xaa: {  	[dreg:$0x4] =	wrdreg $0xC0  }
0xab: {  	_ =	task [dreg:s6], $0x5FFFF  }
0xac: {  	[dreg:$0x1] =	wrdreg $0xFFFFFFFF  }
0xad: {  	[dreg:$0x0] =	wrdreg $0x60  }
0xae: {  	[dreg:$0x2] =	wrdreg s24  }
0xaf: {  	[dreg:$0x3] =	wrdreg $0x9  }
0xb0: {  	_ =	task.clear_ibuf [dreg:s6], $0x4FFFF;
	_ =	strace $0x90000046  }
0xb1: {  	s29 =	simm.s32 $0x9;
	_ =	strace $0x80000048  }
0xb2: {  	_ =	swait.ge [sflag:s29], $0x1  }
0xb3: {  	[sflag:s29] =	ssyncadd.s32 $0xFFFFFFFF  }
0xb4: {  	_ =	strace $0x90000048  }
0xb5: {  	_ =	sfence  }
0xb6: {  	s30 =	sld [smem:$0x0];
	_ =	sdelay $0x2  }
0xb7: {  	s31 =	sshll.u32 s1, $0xD;
	s1 =	sshrl.u32 s1, $0x2  }
0xb8: {  	s3 =	sand.u32 $0x4000, s31;
	s1 =	sadd.s32 s1, s30  }
0xb9: {  	s0 =	sor.u32 s3, s0;
	s1 =	sshll.u32 s1, $0x11  }
0xba: {  	s0 =	sor.u32 s1, s0  }
0xbb: {  	s0 =	sadd.s32 $0x8F2B, s0  }
0xbc: {  	[sflag:s0] =	ssyncadd.remote.s32 $0x1  }
0xbd: {  	_ =	sfence.sel $0xFFFF  }
0xbe: {  	[dreg:$0x0] =	wrdreg $0xFFFFFFFF;
	(pc) =	sbr.abs _section_cstart, $3  }
0xbf: {  	[dreg:$0x1] =	wrdreg $0xFFFFFFFF  }
0xc0: {  	_ =	task.clear_ibuf [dreg:s6], $0x2FFFF;
	_ =	strace $0x9FFFFFFF  }
0xc1: {  	(tm) =	ssettm $0x7FFFFFFF  }
tec
execute0_lowered:
.L_overlay_start_1:
0x0: {  	(tag) =	ssettag $0x1  }
0x1: {  	s5 =	rddreg [dreg:$0x0]  }
0x2: {  	s0 =	rddreg [dreg:$0x1];
	s2 =	simm.s32 $0x0;
	s1 =	stileid.u32  }
0x3: {  	s7 =	srdreg.scid;
	s12 =	simm.s32 $0x62000;
	s13 =	simm.s32 $0x1  }
0x4: {  	s14 =	simm.s32 $0x6000;
	s15 =	simm.s32 $0x6080;
	s16 =	simm.s32 $0x6100  }
0x5: {  	s17 =	simm.s32 $0x0;
	[smem:$0x7FF] =	sst s2;
	s3 =	sadd.s32 $0x6E00, s5  }
0x6: {  	s4 =	sadd.s32 $0x252E00, s5;
	s6 =	sshrl.u32 s1, $0x2;
	s7 =	sand.u32 $0x1, s7  }
0x7: {  	s9 =	sshll.u32 s1, $0x1;
	_ =	strace $0x80000047;
	s8 =	sshll.u32 s6, $0x4  }
0x8: {  	s9 =	sor.u32 s7, s9;
	s7 =	ssub.s32 $0x2, s7;
	s6 =	smul.u32 $0x498000, s6  }
0x9: {  	s8 =	sadd.s32 s8, s5;
	s10 =	sshll.u32 s9, $0x4;
	s11 =	sshrl.u32 s7, $0x1  }
0xa: {  	s9 =	sand.u32 $0x7, s9;
	s10 =	sadd.s32 s10, s5;
	s11 =	ssub.s32 s7, s11  }
0xb: {  	s5 =	smul.u32 $0x31, s9;
	s7 =	sadd.s32 $0xC00, s8;
	s8 =	sadd.s32 $0x49EE00, s10  }
0xc: {  	v0 =	vimm.f32 $1.000000000e+00;
	s9 =	sadd.s32 $0x49F000, s10;
	s10 =	smax.u32 s11, $0x1;
	s11 =	simm.s32 $0x400  }
.LBB2_1:
0xd: {  	v1 =	vimm.f32 $0.0e+00;
	v2 =	vimm.f32 $0.0e+00;
	s18 =	simm.s32 $0x0  }
.LBB2_2:
0xe: {  	s21 =	sadd.s32 s5, s18  }
0xf: {  	s19 =	sshll.u32 s21, $0xA  }
0x10: {  	s19 =	sadd.s32 s6, s19  }
0x11: {  	s20 =	sshrl.u32 s19, $0x3  }
0x12: {  	s19 =	simm.s32 $0x0;
	s22 =	sadd.s32 s3, s20  }
0x13: {  	[tilespmem:s19], [sflag:$0x1] =	stream.strided.gather [hbm4b:s22+s11], $0x3000, s12, s11, $0x38;
	[tilespmem:$0x6180] =	vst v63  }
0x14: {  	_ =	swait.ge [sflag:s13], $0x3000  }
0x15: {  	[sflag:s13] =	ssyncset.done $0x0  }
0x16: {  	s31 =	sadd.s32 s4, s20;
	s20 =	simm.s32 $0x3000;
	[sflag:s13] =	ssyncadd.s32 $0xFFFFD000  }
0x17: {  	[tilespmem:s20], [sflag:$0x1] =	stream.strided.gather [hbm4b:s31+s11], $0x3000, s12, s11, $0x38;
	[tilespmem:$0x6180] =	vst v63  }
0x18: {  	_ =	swait.ge [sflag:s13], $0x3000  }
0x19: {  	s21 =	sshll.u32 s21, $0x6;
	[sflag:s13] =	ssyncset.done $0x0  }
0x1a: {  	s21 =	sadd.s32 s21, s7;
	[sflag:s13] =	ssyncadd.s32 $0xFFFFD000  }
0x1b: {  	[tilespmem:s14], [sflag:$0x1] =	stream.linear.gather [hbm4b:s21+s19], $0x80, $0x38;
	[tilespmem:$0x6180] =	vst v63  }
0x1c: {  	_ =	swait.ge [sflag:s13], $0x80  }
0x1d: {  	[sflag:s13] =	ssyncset.done $0x0  }
0x1e: {  	s21 =	simm.s32 $0x0;
	[sflag:s13] =	ssyncadd.s32 $0xFFFFFF80  }
.LBB2_3:
0x1f: {  	v7 =	vmov s20;
	_ =	sdelay $0x3  }
0x20: {  	s22 =	simm.s32 $0x0  }
0x21: {  	v4 =	vld.idx.msk [tilespmem:v7+s22+$0x0 ss:$0x1], $0xffff;
	_ =	sdelay $0x1  }
0x22: {  	v8 =	vmov s19  }
0x23: {  	s23 =	simm.s32 $0x80  }
0x24: {  	v5 =	vld.idx.msk [tilespmem:v7+s23+$0x0 ss:$0x1], $0xffff  }
0x25: {  	v3 =	vmul.f32 $1.442695020e+00, v4;
	_ =	sdelay $0x1  }
0x26: {  	v6 =	vld.idx.msk [tilespmem:v8+s22+$0x0 ss:$0x1], $0xffff;
	(erf) = vpow2.f32 v3  }
0x27: {  	s31 =	simm.s32 $0x100  }
0x28: {  	v9 =	vld.idx.msk [tilespmem:v7+s31+$0x0 ss:$0x1], $0xffff;
	v3 =	vmul.f32 $1.442695020e+00, v5;
	_ =	sdelay $0x1  }
0x29: {  	(erf) = vpow2.f32 v3  }
0x2a: {  	v3 =	vmul.f32 $1.442695020e+00, v6  }
0x2b: {  	s25 =	simm.s32 $0x180;
	v11 =	vld.idx.msk [tilespmem:v8+s23+$0x0 ss:$0x1], $0xffff  }
0x2c: {  	v12 =	vmul.f32 $1.442695020e+00, v9;
	(erf) = vpow2.f32 v3;
	v3 =	vld.idx.msk [tilespmem:v7+s25+$0x0 ss:$0x1], $0xffff;
	_ =	sdelay $0x1  }
0x2d: {  	v4 =	vsub.f32 v4, v6;
	v6 =	vpop (erf);
	(erf) = vpow2.f32 v12;
	_ =	sdelay $0x1  }
0x2e: {  	v13 =	vld.idx.msk [tilespmem:v8+s31+$0x0 ss:$0x1], $0xffff;
	v14 =	vmul.f32 $1.442695020e+00, v11  }
0x2f: {  	v12 =	vmul.f32 $1.442695020e+00, v3;
	v4 =	vmul.f32 v6, v4  }
0x30: {  	v10 =	vimm.f32 $0.0e+00;
	s23 =	simm.s32 $0x200;
	v5 =	vsub.f32 v5, v11;
	v11 =	vpop (erf);
	(erf) = vpow2.f32 v14  }
0x31: {  	v15 =	vadd.f32 v4, v10;
	v4 =	vld.idx.msk [tilespmem:v7+s23+$0x0 ss:$0x1], $0xffff;
	(erf) = vpow2.f32 v12  }
0x32: {  	v6 =	vadd.f32 v6, v10;
	v5 =	vmul.f32 v11, v5  }
0x33: {  	v9 =	vsub.f32 v9, v13  }
0x34: {  	s24 =	simm.s32 $0xA00;
	s22 =	sshll.u32 s21, $0x4;
	v11 =	vadd.f32 v11, v6;
	v6 =	vld.idx.msk [tilespmem:v8+s25+$0x0 ss:$0x1], $0xffff;
	v12 =	vmul.f32 $1.442695020e+00, v13;
	v13 =	vpop (erf);
	v5 =	vadd.f32 v5, v15  }
.LBB2_4:
0x35: {  	s25 =	sshra.s32 s24, $0x2;
	p0 =	sne.s32 s24, $0xBE00;
	s24 =	sadd.s32 $0x200, s24;
	v14 =	vpop (erf);
	v10 =	vadd.f32 v13, v10  }
.Ltmp0:
0x36: {  	v13 =	vmul.f32 $1.442695020e+00, v4;
	v11 =	vadd.f32 v14, v11;
	v9 =	vmul.f32 v14, v9;
	v14 =	vmovc v4;
	v4 =	vld.idx.msk [tilespmem:v7+s25+$0x0 ss:$0x1], $0xffff;
	(pc) =	sbr.rel @p0 .LBB2_4-.Ltmp0, $3  }
0x37: {  	(erf) = vpow2.f32 v12  }
0x38: {  	(erf) = vpow2.f32 v13;
	v5 =	vadd.f32 v9, v5;
	_ =	sdelay $0x1  }
0x39: {  	v12 =	vmul.f32 $1.442695020e+00, v6;
	v9 =	vsub.f32 v3, v6;
	v3 =	vmov v14;
	v6 =	vld.idx.msk [tilespmem:v8+s23+$0x0 ss:$0x1], $0xffff;
	v13 =	vpop (erf);
	s23 =	smov.u32 s25  }
0x3a: {  	_ =	sdelay $0x3  }
0x3b: {  	v7 =	vld.idx.msk [tilespmem:v8+s23+$0x0 ss:$0x1], $0xffff;
	_ =	sdelay $0x1  }
0x3c: {  	v40 =	vmul.f32 $1.442695020e+00, v4  }
0x3d: {  	(erf) = vpow2.f32 v12;
	v41 =	vmul.f32 $1.442695020e+00, v6  }
0x3e: {  	(erf) = vpow2.f32 v40  }
0x3f: {  	v42 =	vmul.f32 $1.442695020e+00, v7;
	(erf) = vpow2.f32 v41;
	_ =	sdelay $0x1  }
0x40: {  	(erf) = vpow2.f32 v42;
	_ =	sdelay $0x1  }
0x41: {  	v43 =	vpop (erf);
	v10 =	vadd.f32 v13, v10  }
0x42: {  	v44 =	vpop (erf)  }
0x43: {  	v45 =	vpop (erf);
	v10 =	vadd.f32 v44, v10  }
0x44: {  	v46 =	vpop (erf)  }
0x45: {  	v14 =	vpop (erf);
	v10 =	vadd.f32 v46, v10  }
0x46: {  	v47 =	vpop (erf)  }
0x47: {  	v11 =	vadd.f32 v43, v11;
	v10 =	vadd.f32 v47, v10  }
0x48: {  	v48 =	vpop (erf)  }
0x49: {  	v11 =	vadd.f32 v45, v11;
	v10 =	vadd.f32 v48, v10;
	_ =	sdelay $0x1  }
0x4a: {  	v11 =	vadd.f32 v14, v11;
	v12 =	vand.u32 $0x7FFFFF, v10  }
0x4b: {  	v12 =	vor.u32 $0x3F800000, v12  }
0x4c: {  	v16 =	vand.u32 $0x7FFFFF, v11;
	v15 =	vadd.f32 $1.000000000e+00, v12  }
0x4d: {  	(erf) = vrcp.f32 v11;
	v49 =	vor.u32 $0x3F800000, v16  }
0x4e: {  	v16 =	vadd.f32 $1.000000000e+00, v49;
	(erf) = vrcp.f32 v15;
	_ =	sdelay $0x1  }
0x4f: {  	(erf) = vrcp.f32 v16;
	_ =	sdelay $0x5  }
0x50: {  	v12 =	vadd.f32 $-1.000000000e+00, v12;
	v50 =	vpop (erf)  }
0x51: {  	v17 =	vpop (erf)  }
0x52: {  	v15 =	vadd.f32 $-1.000000000e+00, v49;
	v12 =	vmul.f32 v17, v12  }
0x53: {  	v18 =	vpop (erf)  }
0x54: {  	v15 =	vmul.f32 v18, v15;
	v17 =	vmul.f32 v12, v12;
	_ =	sdelay $0x1  }
0x55: {  	v19 =	vmul.f32 v15, v15;
	v51 =	vmul.f32 $1.111111120e-01, v17;
	_ =	sdelay $0x1  }
0x56: {  	v20 =	vmul.f32 $1.111111120e-01, v19;
	v18 =	vadd.f32 $1.428571490e-01, v51;
	_ =	sdelay $0x1  }
0x57: {  	v20 =	vadd.f32 $1.428571490e-01, v20;
	v18 =	vmul.f32 v18, v17  }
0x58: {  	v8 =	vmul.f32 v43, v9;
	v3 =	vsub.f32 v3, v6  }
0x59: {  	v20 =	vmul.f32 v20, v19;
	v18 =	vadd.f32 $2.000000030e-01, v18  }
0x5a: {  	v5 =	vadd.f32 v8, v5;
	v54 =	vsub.f32 v4, v7;
	v3 =	vmul.f32 v45, v3  }
0x5b: {  	v53 =	vadd.f32 $2.000000030e-01, v20;
	v52 =	vmul.f32 v18, v17  }
0x5c: {  	v3 =	vadd.f32 v3, v5;
	v4 =	vmul.f32 v14, v54  }
0x5d: {  	v55 =	vmul.f32 v53, v19;
	v6 =	vadd.f32 $3.333333430e-01, v52  }
0x5e: {  	v3 =	vadd.f32 v4, v3;
	v59 =	vshra.s32 v11, $0x17  }
0x5f: {  	v57 =	vshra.s32 v10, $0x17;
	v7 =	vadd.f32 $3.333333430e-01, v55;
	v56 =	vmul.f32 v6, v17  }
0x60: {  	v4 =	vadd.s32 $0xFFFFFF81, v59;
	v58 =	vadd.f32 v12, v12;
	v6 =	vadd.s32 $0xFFFFFF81, v57  }
0x61: {  	v6 =	vcvt.s32.f32 v6;
	v7 =	vmul.f32 v7, v19;
	v5 =	vadd.f32 $1.000000000e+00, v56  }
0x62: {  	v4 =	vcvt.s32.f32 v4;
	v60 =	vadd.f32 v15, v15  }
0x63: {  	v6 =	vmul.f32 $6.931471820e-01, v6;
	v7 =	vadd.f32 $1.000000000e+00, v7;
	v5 =	vmul.f32 v5, v58  }
0x64: {  	v61 =	vld [tilespmem:s22+$0x6000];
	v4 =	vmul.f32 $6.931471820e-01, v4  }
0x65: {  	v3 =	vmul.f32 v50, v3;
	v62 =	vmul.f32 v7, v60;
	v5 =	vadd.f32 v5, v6;
	_ =	sdelay $0x1  }
0x66: {  	s21 =	sadd.s32 $0x1, s21;
	v4 =	vadd.f32 v62, v4;
	v3 =	vadd.f32 v5, v3  }
0x67: {  	p0 =	sne.s32 s21, $0x8  }
.Ltmp1:
0x68: {  	vm0 =	veq.s32 v61, $0x0;
	v3 =	vsub.f32 v3, v4;
	(pc) =	sbr.rel @p0 .LBB2_3-.Ltmp1, $3  }
0x69: {  	v63 =	vsel vm0, $0x0, v0  }
0x6a: {  	v3 =	vmul.f32 v63, v3;
	_ =	sdelay $0x1  }
0x6b: {  	s20 =	sadd.s32 $0x10, s20;
	s19 =	sadd.s32 $0x10, s19;
	v1 =	vadd.f32 v63, v1;
	v2 =	vadd.f32 v3, v2  }
0x6c: {  	s18 =	sadd.s32 $0x1, s18  }
0x6d: {  	p0 =	sne.s32 s18, $0x31  }
.Ltmp2:
0x6e: {  	_ = 	snop;
	(pc) =	sbr.rel @p0 .LBB2_2-.Ltmp2, $1  }
0x6f: {  	_ =	sdelay $0x3  }
0x70: {  	[tilespmem:$0x6080] =	vst v2  }
0x71: {  	[tilespmem:$0x6100] =	vst v1  }
0x72: {  	[hbm4b:s8+s2] =	stream.linear.scatter [tilespmem:s15], [sflag:$0x1], $0x80, $0x38;
	[tilespmem:$0x6180] =	vst v63  }
0x73: {  	s17 =	sadd.s32 $0x1, s17;
	_ =	swait.ge [sflag:s13], $0x80  }
0x74: {  	p0 =	sne.s32 s17, s10;
	[sflag:s13] =	ssyncset.done $0x0  }
.Ltmp3:
0x75: {  	[sflag:s13] =	ssyncadd.s32 $0xFFFFFF80;
	(pc) =	sbr.rel @p0 .LBB2_1-.Ltmp3, $4  }
0x76: {  	[hbm4b:s9+s2] =	stream.linear.scatter [tilespmem:s16], [sflag:$0x1], $0x80, $0x38;
	[tilespmem:$0x6180] =	vst v63  }
0x77: {  	_ =	swait.ge [sflag:s13], $0x80  }
0x78: {  	[sflag:s13] =	ssyncset.done $0x0  }
0x79: {  	[sflag:s13] =	ssyncadd.s32 $0xFFFFFF80  }
0x7a: {  	_ =	sfence.sel $0x180000  }
0x7b: {  	[bflag:$0x0] =	sbarrier.arrive $0xFFFF  }
0x7c: {  	p0 =	sne.s32 s1, $0x0;
	_ =	strace $0x90000047  }
0x7d: {  	s0 =	sadd.s32 @!p0 $0x100000, s0;
	[bflag:$0x2] =	sbarrier.arrive $0xFFFF  }
0x7e: {  	[sflag:s0] =	ssyncadd.tile.s32 @!p0 $0x1;
	_ =	shalt  }
.Lfunc_end2:
_tile_overlayer_lowered:
.L_overlay_start_2:
0x7f: {  	(tag) =	ssettag $0x2  }
0x80: {  	s0 =	rddreg [dreg:$0x0];
	s2 =	stileid.u32  }
0x81: {  	s1 =	rddreg [dreg:$0x1];
	p0 =	sne.s32 s2, $0x0  }
0x82: {  	s3 =	rddreg [dreg:$0x2];
	[bflag:$0x3] =	sbarrier.arrive $0xFFFF;
	s2 =	simm.s32 @!p0 $0x1C01  }
0x83: {  	[timem:s3], [sflag:s2] =	dma.local @!p0 [hbm:s0], s1  }
0x84: {  	s0 =	simm.s32 @!p0 $0x1  }
0x85: {  	_ =	swait.ge @!p0 [sflag:s0], s1  }
0x86: {  	s1 =	ssub.s32 @!p0 $0x0, s1;
	[sflag:s0] =	ssyncset.done @!p0 $0x0  }
0x87: {  	[sflag:s0] =	ssyncadd.s32 @!p0 s1  }
0x88: {  	[bflag:$0x3] =	sbarrier.arrive $0xFFFF  }
0x89: {  	_ =	shalt  }

</sc_bundles>
